<compile_context>
chip_gen: v7x
topology: tpu7x:2x2x1
jax: 0.10.2.dev20260603
libtpu: 0.0.44.dev20260713+nightly
codegen_flags: <defaults>
</compile_context>

<pallas_src>
import functools

import jax
import jax.numpy as jnp
from jax import lax
from jax.experimental import pallas as pl
from jax.experimental.pallas import tpu as pltpu
from jax.experimental.pallas import tpu_sc as plsc

_V = 100000
_E = 128
_H = 768
_PAD = 1
_B, _S = 4, 2048
_EPS = 1e-12

_NC = 2
_NS = 16
_NW = _NC * _NS
_TOK = _B * _S
_TPW = _TOK // _NW
_CH = 128

_BLK = 512
_NBLK = _TOK // _BLK
_BPR = _S // _BLK
_WIN = 2176
_HB = 256
_WCOLS = 384


def _sc_body(ids_hbm, word_hbm, we_out, idx_v, we_v, sem):
    wid = lax.axis_index("s") * _NC + lax.axis_index("c")
    base = wid * _TPW
    for j in range(_TPW // _CH):
        pltpu.sync_copy(ids_hbm.at[pl.ds(base + j * _CH, _CH)], idx_v.at[j])
        pltpu.async_copy(word_hbm.at[idx_v.at[j]], we_v, sem).wait()
        pltpu.sync_copy(we_v, we_out.at[pl.ds(base + j * _CH, _CH)])


@functools.cache
def _sc_gather():
    return pl.kernel(
        _sc_body,
        out_type=jax.ShapeDtypeStruct((_TOK, _E), jnp.float32),
        mesh=plsc.VectorSubcoreMesh(core_axis_name="c", subcore_axis_name="s"),
        compiler_params=pltpu.CompilerParams(needs_layout_passes=False),
        scratch_types=[
            pltpu.VMEM((_TPW // _CH, _CH), jnp.int32),
            pltpu.VMEM((_CH, _E), jnp.float32),
            pltpu.SemaphoreType.DMA,
        ],
    )


def _tc_body(we_ref, w2_ref, win_ref, ids_ref, tril_ref, te_ref, pad_ref,
             g_ref, b_ref, o_ref, c_ref):
    i = pl.program_id(0)

    c = jnp.where(i % _BPR == 0, 0.0, c_ref[0])

    ids = ids_ref[...]
    m = jnp.where(ids != _PAD, 1.0, 0.0)

    cum = jnp.dot(tril_ref[...], m.astype(jnp.bfloat16),
                  preferred_element_type=jnp.float32)

    pos = (cum + c) * m + float(_PAD)

    iota = lax.broadcasted_iota(jnp.int32, (_HB, _WCOLS), 1).astype(jnp.float32)
    halves = []
    for h in range(2):
        ch = c if h == 0 else c + jnp.sum(m[:_HB, :])
        q0 = ((ch.astype(jnp.int32) + 2) // 8) * 8
        ph = pos[h * _HB:(h + 1) * _HB, :]
        mh = m[h * _HB:(h + 1) * _HB, :]
        col = ph - q0.astype(jnp.float32)
        onehot = jnp.where((col == iota) & (mh > 0.0), 1.0, 0.0
                           ).astype(jnp.bfloat16)
        win = win_ref[pl.ds(q0, _WCOLS), :].astype(jnp.bfloat16)
        halves.append(jnp.dot(onehot, win, preferred_element_type=jnp.float32))
    pe = jnp.concatenate(halves, axis=0)
    pe = pe + (1.0 - m) * pad_ref[...]

    x = jnp.dot(we_ref[...].astype(jnp.bfloat16), w2_ref[...],
                preferred_element_type=jnp.float32)
    x = x + te_ref[...] + pe
    mu = jnp.mean(x, axis=-1, keepdims=True)
    d = x - mu
    var = jnp.mean(d * d, axis=-1, keepdims=True)
    o_ref[...] = d * lax.rsqrt(var + _EPS) * g_ref[...] + b_ref[...]

    c_ref[0] = c + jnp.sum(m)


@functools.cache
def _tc_call(interpret=False):
    return pl.pallas_call(
        _tc_body,
        grid=(_NBLK,),
        in_specs=[
            pl.BlockSpec((_BLK, _E), lambda i: (i, 0)),
            pl.BlockSpec((_E, _H), lambda i: (0, 0)),
            pl.BlockSpec((_WIN, _H), lambda i: (0, 0)),
            pl.BlockSpec((_BLK, 1), lambda i: (i, 0)),
            pl.BlockSpec((_BLK, _BLK), lambda i: (0, 0)),
            pl.BlockSpec((1, _H), lambda i: (0, 0)),
            pl.BlockSpec((1, _H), lambda i: (0, 0)),
            pl.BlockSpec((1, _H), lambda i: (0, 0)),
            pl.BlockSpec((1, _H), lambda i: (0, 0)),
        ],
        out_specs=pl.BlockSpec((_BLK, _H), lambda i: (i, 0)),
        out_shape=jax.ShapeDtypeStruct((_TOK, _H), jnp.float32),
        scratch_shapes=[pltpu.SMEM((1,), jnp.float32)],
        interpret=interpret,
    )


def kernel(input_ids, word_emb, W2, pos_emb, type_emb, ln_g, ln_b):
    ids = input_ids.astype(jnp.int32).reshape(_TOK)
    we = _sc_gather()(ids, word_emb)
    tril = (jnp.arange(_BLK)[:, None] >= jnp.arange(_BLK)[None, :]
            ).astype(jnp.bfloat16)
    out = _tc_call()(
        we, W2.astype(jnp.bfloat16), pos_emb, ids.reshape(_TOK, 1), tril,
        type_emb[0:1], pos_emb[_PAD:_PAD + 1], ln_g.reshape(1, _H),
        ln_b.reshape(1, _H))
    return out.reshape(_B, _S, _H)

# --- scband reference (transcript-rebuilt; emitter-appended) ---
"""Pipeline reference for scband-small-embeddings-30915174597220 (READ-ONLY COPY).

The authoritative reference and input builder live on the scoring server;
editing this copy changes nothing except your own understanding.
"""

import jax, jax.numpy as jnp
import numpy as np

V = 100000   # vocab_size
E = 128      # embedding_size (factorized)
H = 768      # hidden_size
P = 4096     # max_position_embeddings
T = 2        # type_vocab_size
PAD = 1      # pad_token_id / padding_idx
B, S = 4, 2048
EPS = 1e-12


def setup_inputs(seed: int = 0) -> dict:
    key = jax.random.key(seed)
    ks = jax.random.split(key, 6)
    input_ids = jax.random.randint(ks[0], (B, S), 0, V)
    word_emb = jax.random.normal(ks[1], (V, E), dtype=jnp.float32) * 0.02
    W2 = jax.random.normal(ks[2], (E, H), dtype=jnp.float32) * 0.02  # Linear(E->H, bias=False), stored as (in, out)
    pos_emb = jax.random.normal(ks[3], (P, H), dtype=jnp.float32) * 0.02
    type_emb = jax.random.normal(ks[4], (T, H), dtype=jnp.float32) * 0.02
    ln_g = jnp.ones((H,), dtype=jnp.float32)
    ln_b = jnp.zeros((H,), dtype=jnp.float32)
    return {
        'input_ids': input_ids,
        'word_emb': word_emb,
        'W2': W2,
        'pos_emb': pos_emb,
        'type_emb': type_emb,
        'ln_g': ln_g,
        'ln_b': ln_b,
    }


def _position_ids_from_input_ids(input_ids, padding_idx, past_key_values_length=0):
    mask = (input_ids != padding_idx).astype(jnp.int32)
    incremental = (jnp.cumsum(mask, axis=1).astype(jnp.int32) + past_key_values_length) * mask
    return incremental + padding_idx


def reference(input_ids, word_emb, W2, pos_emb, type_emb, ln_g, ln_b):
    position_ids = _position_ids_from_input_ids(input_ids, PAD)
    token_type_ids = jnp.zeros_like(input_ids)
    # factorized word embedding: gather then project E -> H
    inputs_embeds = jnp.take(word_emb, input_ids, axis=0)          # [B, S, E]
    inputs_embeds = inputs_embeds @ W2                              # [B, S, H]
    tte = jnp.take(type_emb, token_type_ids, axis=0)                # [B, S, H]
    pe = jnp.take(pos_emb, position_ids, axis=0)                    # [B, S, H]
    emb = inputs_embeds + tte + pe
    mu = jnp.mean(emb, axis=-1, keepdims=True)
    var = jnp.var(emb, axis=-1, keepdims=True)
    out = (emb - mu) / jnp.sqrt(var + EPS) * ln_g + ln_b
    # dropout with p=0.0 (eval) is identity
    return out

if __name__ == "__main__":
    import jax
    _d = setup_inputs()
    print(jax.jit(kernel)(*tuple(_d.values())))

</pallas_src>

<mosaic_0001>
#map = affine_map<(d0, d1) -> (0)>
#map1 = affine_map<(d0, d1) -> (0, 0)>
module attributes {stable_mosaic.version = 14 : i64} {
  func.func @_sc_body(%arg0: i32, %arg1: i32, %arg2: memref<8192xi32, #tpu.memory_space<hbm>>, %arg3: memref<100000x128xf32, #tpu.memory_space<hbm>>, %arg4: memref<8192x128xf32, #tpu.memory_space<hbm>>, %arg5: memref<2x128xi32, #tpu.memory_space<vmem>>, %arg6: memref<128x128xf32, #tpu.memory_space<vmem>>, %arg7: memref<!tpu.dma_semaphore, #tpu.memory_space<semaphore_mem>>) attributes {dimension_semantics = [#tpu.dimension_semantics<core_parallel>, #tpu.dimension_semantics<subcore_parallel>], iteration_bounds = array<i64: 2, 16>, scalar_prefetch = 0 : i64, scratch_operands = 3 : i64, tpu.core_type = #tpu.core_type<sc_vector_subcore>, window_params = [{transform_indices = #map}, {transform_indices = #map1}, {transform_indices = #map1}]} {
    %mul3A = arith.constant 2 : i32
    %mul3A_0 = arith.muli %arg1, %mul3A : i32
    %add3A = arith.addi %mul3A_0, %arg0 : i32
    %mul3A_1 = arith.constant 256 : i32
    %mul3A_2 = arith.muli %add3A, %mul3A_1 : i32
    %add3A_3 = arith.constant 0 : i32
    %add3A_4 = arith.addi %mul3A_2, %add3A_3 : i32
    %run_scoped3A = arith.constant 0 : i32
    "tpu.region"() ({
      %run_scoped3A_38 = tpu.sem_alloc : memref<!tpu.dma_semaphore, #tpu.memory_space<semaphore_mem>>
      %dma_start3A_39 = arith.constant 0 : i32
      %dma_start3A_40 = tpu.memref_slice %arg5[%run_scoped3A, %dma_start3A_39] : memref<2x128xi32, #tpu.memory_space<vmem>> -> memref<1x128xi32, #tpu.memory_space<vmem>>
      %dma_start3A_41 = tpu.memref_squeeze %dma_start3A_40 : memref<1x128xi32, #tpu.memory_space<vmem>> -> memref<128xi32, #tpu.memory_space<vmem>>
      %dma_start3A_42 = tpu.memref_slice %arg2[%add3A_4] : memref<8192xi32, #tpu.memory_space<hbm>> -> memref<128xi32, #tpu.memory_space<hbm>>
      %dma_start3A_43 = arith.constant 0 : i32
      %dma_start3A_44 = tpu.memref_slice %arg5[%run_scoped3A, %dma_start3A_43] : memref<2x128xi32, #tpu.memory_space<vmem>> -> memref<1x128xi32, #tpu.memory_space<vmem>>
      %dma_start3A_45 = tpu.memref_squeeze %dma_start3A_44 : memref<1x128xi32, #tpu.memory_space<vmem>> -> memref<128xi32, #tpu.memory_space<vmem>>
      %dma_start3A_46 = tpu.memref_slice %arg2[%add3A_4] : memref<8192xi32, #tpu.memory_space<hbm>> -> memref<128xi32, #tpu.memory_space<hbm>>
      tpu.enqueue_dma source(%dma_start3A_46 : memref<128xi32, #tpu.memory_space<hbm>>) target(%dma_start3A_45 : memref<128xi32, #tpu.memory_space<vmem>>) target_semaphore(%run_scoped3A_38 : memref<!tpu.dma_semaphore, #tpu.memory_space<semaphore_mem>>)
      %dma_wait3A_47 = arith.constant 0 : i32
      %dma_wait3A_48 = tpu.memref_slice %arg5[%run_scoped3A, %dma_wait3A_47] : memref<2x128xi32, #tpu.memory_space<vmem>> -> memref<1x128xi32, #tpu.memory_space<vmem>>
      %dma_wait3A_49 = tpu.memref_squeeze %dma_wait3A_48 : memref<1x128xi32, #tpu.memory_space<vmem>> -> memref<128xi32, #tpu.memory_space<vmem>>
      %dma_wait3A_50 = tpu.memref_slice %arg2[%add3A_4] : memref<8192xi32, #tpu.memory_space<hbm>> -> memref<128xi32, #tpu.memory_space<hbm>>
      %dma_wait3A_51 = arith.constant 0 : i32
      %dma_wait3A_52 = tpu.memref_slice %arg5[%run_scoped3A, %dma_wait3A_51] : memref<2x128xi32, #tpu.memory_space<vmem>> -> memref<1x128xi32, #tpu.memory_space<vmem>>
      %dma_wait3A_53 = tpu.memref_squeeze %dma_wait3A_52 : memref<1x128xi32, #tpu.memory_space<vmem>> -> memref<128xi32, #tpu.memory_space<vmem>>
      %dma_wait3A_54 = tpu.memref_slice %arg2[%add3A_4] : memref<8192xi32, #tpu.memory_space<hbm>> -> memref<128xi32, #tpu.memory_space<hbm>>
      tpu.wait_dma2 semaphore(%run_scoped3A_38 : memref<!tpu.dma_semaphore, #tpu.memory_space<semaphore_mem>>) src(%dma_wait3A_54 : memref<128xi32, #tpu.memory_space<hbm>>) dst(%dma_wait3A_53 : memref<128xi32, #tpu.memory_space<vmem>>)
      tpu.yield
    }) : () -> ()
    %dma_start3A = arith.constant 0 : i32
    %dma_start3A_5 = arith.constant 0 : i32
    %dma_start3A_6 = tpu.memref_slice %arg5[%dma_start3A, %dma_start3A_5] : memref<2x128xi32, #tpu.memory_space<vmem>> -> memref<1x128xi32, #tpu.memory_space<vmem>>
    %dma_start3A_7 = tpu.memref_squeeze %dma_start3A_6 : memref<1x128xi32, #tpu.memory_space<vmem>> -> memref<128xi32, #tpu.memory_space<vmem>>
    %dma_start3A_8 = arith.constant 0 : i32
    %dma_start3A_9 = arith.constant 0 : i32
    %dma_start3A_10 = tpu.memref_slice %arg3[%dma_start3A_8, %dma_start3A_9] : memref<100000x128xf32, #tpu.memory_space<hbm>> -> memref<100000x128xf32, #tpu.memory_space<hbm>>
    tpu.enqueue_indirect_dma source(%dma_start3A_10 : memref<100000x128xf32, #tpu.memory_space<hbm>>) target(%arg6 : memref<128x128xf32, #tpu.memory_space<vmem>>) offsets(%dma_start3A_7 : memref<128xi32, #tpu.memory_space<vmem>>) semaphore(%arg7 : memref<!tpu.dma_semaphore, #tpu.memory_space<semaphore_mem>>)
    %dma_wait3A = arith.constant 0 : i32
    %dma_wait3A_11 = arith.constant 0 : i32
    %dma_wait3A_12 = tpu.memref_slice %arg5[%dma_wait3A, %dma_wait3A_11] : memref<2x128xi32, #tpu.memory_space<vmem>> -> memref<1x128xi32, #tpu.memory_space<vmem>>
    %dma_wait3A_13 = tpu.memref_squeeze %dma_wait3A_12 : memref<1x128xi32, #tpu.memory_space<vmem>> -> memref<128xi32, #tpu.memory_space<vmem>>
    %dma_wait3A_14 = arith.constant 0 : i32
    %dma_wait3A_15 = arith.constant 0 : i32
    %dma_wait3A_16 = tpu.memref_slice %arg3[%dma_wait3A_14, %dma_wait3A_15] : memref<100000x128xf32, #tpu.memory_space<hbm>> -> memref<100000x128xf32, #tpu.memory_space<hbm>>
    tpu.wait_indirect_dma semaphore(%arg7 : memref<!tpu.dma_semaphore, #tpu.memory_space<semaphore_mem>>) src(%dma_wait3A_16 : memref<100000x128xf32, #tpu.memory_space<hbm>>) dst(%arg6 : memref<128x128xf32, #tpu.memory_space<vmem>>)
    %add3A_17 = arith.constant 0 : i32
    %add3A_18 = arith.addi %mul3A_2, %add3A_17 : i32
    "tpu.region"() ({
      %run_scoped3A_38 = tpu.sem_alloc : memref<!tpu.dma_semaphore, #tpu.memory_space<semaphore_mem>>
      %dma_start3A_39 = arith.constant 0 : i32
      %dma_start3A_40 = tpu.memref_slice %arg4[%add3A_18, %dma_start3A_39] : memref<8192x128xf32, #tpu.memory_space<hbm>> -> memref<128x128xf32, #tpu.memory_space<hbm>>
      %dma_start3A_41 = arith.constant 0 : i32
      %dma_start3A_42 = tpu.memref_slice %arg4[%add3A_18, %dma_start3A_41] : memref<8192x128xf32, #tpu.memory_space<hbm>> -> memref<128x128xf32, #tpu.memory_space<hbm>>
      tpu.enqueue_dma source(%arg6 : memref<128x128xf32, #tpu.memory_space<vmem>>) target(%dma_start3A_42 : memref<128x128xf32, #tpu.memory_space<hbm>>) target_semaphore(%run_scoped3A_38 : memref<!tpu.dma_semaphore, #tpu.memory_space<semaphore_mem>>)
      %dma_wait3A_43 = arith.constant 0 : i32
      %dma_wait3A_44 = tpu.memref_slice %arg4[%add3A_18, %dma_wait3A_43] : memref<8192x128xf32, #tpu.memory_space<hbm>> -> memref<128x128xf32, #tpu.memory_space<hbm>>
      %dma_wait3A_45 = arith.constant 0 : i32
      %dma_wait3A_46 = tpu.memref_slice %arg4[%add3A_18, %dma_wait3A_45] : memref<8192x128xf32, #tpu.memory_space<hbm>> -> memref<128x128xf32, #tpu.memory_space<hbm>>
      tpu.wait_dma2 semaphore(%run_scoped3A_38 : memref<!tpu.dma_semaphore, #tpu.memory_space<semaphore_mem>>) src(%arg6 : memref<128x128xf32, #tpu.memory_space<vmem>>) dst(%dma_wait3A_46 : memref<128x128xf32, #tpu.memory_space<hbm>>)
      tpu.yield
    }) : () -> ()
    %add3A_19 = arith.constant 128 : i32
    %add3A_20 = arith.addi %mul3A_2, %add3A_19 : i32
    %run_scoped3A_21 = arith.constant 1 : i32
    "tpu.region"() ({
      %run_scoped3A_38 = tpu.sem_alloc : memref<!tpu.dma_semaphore, #tpu.memory_space<semaphore_mem>>
      %dma_start3A_39 = arith.constant 0 : i32
      %dma_start3A_40 = tpu.memref_slice %arg5[%run_scoped3A_21, %dma_start3A_39] : memref<2x128xi32, #tpu.memory_space<vmem>> -> memref<1x128xi32, #tpu.memory_space<vmem>>
      %dma_start3A_41 = tpu.memref_squeeze %dma_start3A_40 : memref<1x128xi32, #tpu.memory_space<vmem>> -> memref<128xi32, #tpu.memory_space<vmem>>
      %dma_start3A_42 = tpu.memref_slice %arg2[%add3A_20] : memref<8192xi32, #tpu.memory_space<hbm>> -> memref<128xi32, #tpu.memory_space<hbm>>
      %dma_start3A_43 = arith.constant 0 : i32
      %dma_start3A_44 = tpu.memref_slice %arg5[%run_scoped3A_21, %dma_start3A_43] : memref<2x128xi32, #tpu.memory_space<vmem>> -> memref<1x128xi32, #tpu.memory_space<vmem>>
      %dma_start3A_45 = tpu.memref_squeeze %dma_start3A_44 : memref<1x128xi32, #tpu.memory_space<vmem>> -> memref<128xi32, #tpu.memory_space<vmem>>
      %dma_start3A_46 = tpu.memref_slice %arg2[%add3A_20] : memref<8192xi32, #tpu.memory_space<hbm>> -> memref<128xi32, #tpu.memory_space<hbm>>
      tpu.enqueue_dma source(%dma_start3A_46 : memref<128xi32, #tpu.memory_space<hbm>>) target(%dma_start3A_45 : memref<128xi32, #tpu.memory_space<vmem>>) target_semaphore(%run_scoped3A_38 : memref<!tpu.dma_semaphore, #tpu.memory_space<semaphore_mem>>)
      %dma_wait3A_47 = arith.constant 0 : i32
      %dma_wait3A_48 = tpu.memref_slice %arg5[%run_scoped3A_21, %dma_wait3A_47] : memref<2x128xi32, #tpu.memory_space<vmem>> -> memref<1x128xi32, #tpu.memory_space<vmem>>
      %dma_wait3A_49 = tpu.memref_squeeze %dma_wait3A_48 : memref<1x128xi32, #tpu.memory_space<vmem>> -> memref<128xi32, #tpu.memory_space<vmem>>
      %dma_wait3A_50 = tpu.memref_slice %arg2[%add3A_20] : memref<8192xi32, #tpu.memory_space<hbm>> -> memref<128xi32, #tpu.memory_space<hbm>>
      %dma_wait3A_51 = arith.constant 0 : i32
      %dma_wait3A_52 = tpu.memref_slice %arg5[%run_scoped3A_21, %dma_wait3A_51] : memref<2x128xi32, #tpu.memory_space<vmem>> -> memref<1x128xi32, #tpu.memory_space<vmem>>
      %dma_wait3A_53 = tpu.memref_squeeze %dma_wait3A_52 : memref<1x128xi32, #tpu.memory_space<vmem>> -> memref<128xi32, #tpu.memory_space<vmem>>
      %dma_wait3A_54 = tpu.memref_slice %arg2[%add3A_20] : memref<8192xi32, #tpu.memory_space<hbm>> -> memref<128xi32, #tpu.memory_space<hbm>>
      tpu.wait_dma2 semaphore(%run_scoped3A_38 : memref<!tpu.dma_semaphore, #tpu.memory_space<semaphore_mem>>) src(%dma_wait3A_54 : memref<128xi32, #tpu.memory_space<hbm>>) dst(%dma_wait3A_53 : memref<128xi32, #tpu.memory_space<vmem>>)
      tpu.yield
    }) : () -> ()
    %dma_start3A_22 = arith.constant 1 : i32
    %dma_start3A_23 = arith.constant 0 : i32
    %dma_start3A_24 = tpu.memref_slice %arg5[%dma_start3A_22, %dma_start3A_23] : memref<2x128xi32, #tpu.memory_space<vmem>> -> memref<1x128xi32, #tpu.memory_space<vmem>>
    %dma_start3A_25 = tpu.memref_squeeze %dma_start3A_24 : memref<1x128xi32, #tpu.memory_space<vmem>> -> memref<128xi32, #tpu.memory_space<vmem>>
    %dma_start3A_26 = arith.constant 0 : i32
    %dma_start3A_27 = arith.constant 0 : i32
    %dma_start3A_28 = tpu.memref_slice %arg3[%dma_start3A_26, %dma_start3A_27] : memref<100000x128xf32, #tpu.memory_space<hbm>> -> memref<100000x128xf32, #tpu.memory_space<hbm>>
    tpu.enqueue_indirect_dma source(%dma_start3A_28 : memref<100000x128xf32, #tpu.memory_space<hbm>>) target(%arg6 : memref<128x128xf32, #tpu.memory_space<vmem>>) offsets(%dma_start3A_25 : memref<128xi32, #tpu.memory_space<vmem>>) semaphore(%arg7 : memref<!tpu.dma_semaphore, #tpu.memory_space<semaphore_mem>>)
    %dma_wait3A_29 = arith.constant 1 : i32
    %dma_wait3A_30 = arith.constant 0 : i32
    %dma_wait3A_31 = tpu.memref_slice %arg5[%dma_wait3A_29, %dma_wait3A_30] : memref<2x128xi32, #tpu.memory_space<vmem>> -> memref<1x128xi32, #tpu.memory_space<vmem>>
    %dma_wait3A_32 = tpu.memref_squeeze %dma_wait3A_31 : memref<1x128xi32, #tpu.memory_space<vmem>> -> memref<128xi32, #tpu.memory_space<vmem>>
    %dma_wait3A_33 = arith.constant 0 : i32
    %dma_wait3A_34 = arith.constant 0 : i32
    %dma_wait3A_35 = tpu.memref_slice %arg3[%dma_wait3A_33, %dma_wait3A_34] : memref<100000x128xf32, #tpu.memory_space<hbm>> -> memref<100000x128xf32, #tpu.memory_space<hbm>>
    tpu.wait_indirect_dma semaphore(%arg7 : memref<!tpu.dma_semaphore, #tpu.memory_space<semaphore_mem>>) src(%dma_wait3A_35 : memref<100000x128xf32, #tpu.memory_space<hbm>>) dst(%arg6 : memref<128x128xf32, #tpu.memory_space<vmem>>)
    %add3A_36 = arith.constant 128 : i32
    %add3A_37 = arith.addi %mul3A_2, %add3A_36 : i32
    "tpu.region"() ({
      %run_scoped3A_38 = tpu.sem_alloc : memref<!tpu.dma_semaphore, #tpu.memory_space<semaphore_mem>>
      %dma_start3A_39 = arith.constant 0 : i32
      %dma_start3A_40 = tpu.memref_slice %arg4[%add3A_37, %dma_start3A_39] : memref<8192x128xf32, #tpu.memory_space<hbm>> -> memref<128x128xf32, #tpu.memory_space<hbm>>
      %dma_start3A_41 = arith.constant 0 : i32
      %dma_start3A_42 = tpu.memref_slice %arg4[%add3A_37, %dma_start3A_41] : memref<8192x128xf32, #tpu.memory_space<hbm>> -> memref<128x128xf32, #tpu.memory_space<hbm>>
      tpu.enqueue_dma source(%arg6 : memref<128x128xf32, #tpu.memory_space<vmem>>) target(%dma_start3A_42 : memref<128x128xf32, #tpu.memory_space<hbm>>) target_semaphore(%run_scoped3A_38 : memref<!tpu.dma_semaphore, #tpu.memory_space<semaphore_mem>>)
      %dma_wait3A_43 = arith.constant 0 : i32
      %dma_wait3A_44 = tpu.memref_slice %arg4[%add3A_37, %dma_wait3A_43] : memref<8192x128xf32, #tpu.memory_space<hbm>> -> memref<128x128xf32, #tpu.memory_space<hbm>>
      %dma_wait3A_45 = arith.constant 0 : i32
      %dma_wait3A_46 = tpu.memref_slice %arg4[%add3A_37, %dma_wait3A_45] : memref<8192x128xf32, #tpu.memory_space<hbm>> -> memref<128x128xf32, #tpu.memory_space<hbm>>
      tpu.wait_dma2 semaphore(%run_scoped3A_38 : memref<!tpu.dma_semaphore, #tpu.memory_space<semaphore_mem>>) src(%arg6 : memref<128x128xf32, #tpu.memory_space<vmem>>) dst(%dma_wait3A_46 : memref<128x128xf32, #tpu.memory_space<hbm>>)
      tpu.yield
    }) : () -> ()
    return
  }
}

module attributes {stable_mosaic.version = 14 : i64} {
  func.func @_tc_body(%arg0: i32, %arg1: memref<512x128xf32, #tpu.memory_space<vmem>>, %arg2: memref<128x768xbf16, #tpu.memory_space<vmem>>, %arg3: memref<2176x768xf32, #tpu.memory_space<vmem>>, %arg4: memref<512x1xi32, #tpu.memory_space<vmem>>, %arg5: memref<512x512xbf16, #tpu.memory_space<vmem>>, %arg6: memref<1x768xf32, #tpu.memory_space<vmem>>, %arg7: memref<1x768xf32, #tpu.memory_space<vmem>>, %arg8: memref<1x768xf32, #tpu.memory_space<vmem>>, %arg9: memref<1x768xf32, #tpu.memory_space<vmem>>, %arg10: memref<512x768xf32, #tpu.memory_space<vmem>>, %arg11: memref<1xf32, #tpu.memory_space<smem>>) attributes {dimension_semantics = [#tpu.dimension_semantics<arbitrary>], iteration_bounds = array<i64: 16>, scalar_prefetch = 0 : i64, scratch_operands = 1 : i64, tpu.core_type = #tpu.core_type<tc>, window_params = [{transform_indices = @transform_0, window_bounds = array<i64: 512, 128>}, {pipeline_mode = #tpu.pipeline_mode<synchronous>, transform_indices = @transform_1, window_bounds = array<i64: 128, 768>}, {transform_indices = @transform_2, window_bounds = array<i64: 2176, 768>}, {transform_indices = @transform_3, window_bounds = array<i64: 512, 1>}, {pipeline_mode = #tpu.pipeline_mode<synchronous>, transform_indices = @transform_4, window_bounds = array<i64: 512, 512>}, {pipeline_mode = #tpu.pipeline_mode<synchronous>, transform_indices = @transform_5, window_bounds = array<i64: 1, 768>}, {pipeline_mode = #tpu.pipeline_mode<synchronous>, transform_indices = @transform_6, window_bounds = array<i64: 1, 768>}, {pipeline_mode = #tpu.pipeline_mode<synchronous>, transform_indices = @transform_7, window_bounds = array<i64: 1, 768>}, {pipeline_mode = #tpu.pipeline_mode<synchronous>, transform_indices = @transform_8, window_bounds = array<i64: 1, 768>}, {transform_indices = @transform_9, window_bounds = array<i64: 512, 768>}]} {
    %jit3A = arith.constant 4 : i32
    %eq3A = arith.constant 0 : i32
    %eq3A_0 = arith.cmpi eq, %jit3A, %eq3A : i32
    %jit3A_1 = arith.constant 1 : i32
    %select_n3A = arith.select %eq3A_0, %jit3A_1, %jit3A : i32
    %rem3A = arith.remsi %arg0, %select_n3A : i32
    %ne3A = arith.constant 0 : i32
    %ne3A_2 = arith.cmpi ne, %rem3A, %ne3A : i32
    %lt3A = arith.constant 0 : i32
    %lt3A_3 = arith.cmpi slt, %rem3A, %lt3A : i32
    %lt3A_4 = arith.constant 0 : i32
    %lt3A_5 = arith.cmpi slt, %select_n3A, %lt3A_4 : i32
    %ne3A_6 = arith.xori %lt3A_3, %lt3A_5 : i1
    %and3A = arith.andi %ne3A_6, %ne3A_2 : i1
    %add3A = arith.addi %rem3A, %select_n3A : i32
    %select_n3A_7 = arith.select %and3A, %add3A, %rem3A : i32
    %eq3A_8 = arith.constant 0 : i32
    %eq3A_9 = arith.cmpi eq, %select_n3A_7, %eq3A_8 : i32
    %get3A = arith.constant 0 : index
    %get3A_10 = memref.load %arg11[%get3A] : memref<1xf32, #tpu.memory_space<smem>>
    %jit3A_11 = arith.constant 0.000000e+00 : f32
    %select_n3A_12 = arith.select %eq3A_9, %jit3A_11, %get3A_10 : f32
    %get3A_13 = arith.constant 0 : index
    %get3A_14 = arith.constant 0 : index
    %get3A_15 = vector.load %arg4[%get3A_13, %get3A_14] : memref<512x1xi32, #tpu.memory_space<vmem>>, vector<512x1xi32>
    %ne3A_16 = arith.constant 1 : i32
    %ne3A_17 = vector.broadcast %ne3A_16 : i32 to vector<512x1xi32>
    %ne3A_18 = arith.cmpi ne, %get3A_15, %ne3A_17 : vector<512x1xi32>
    %jit3A_19 = arith.constant 1.000000e+00 : f32
    %jit3A_20 = arith.constant 0.000000e+00 : f32
    %broadcast_in_dim3A = vector.broadcast %jit3A_19 : f32 to vector<512x1xf32>
    %broadcast_in_dim3A_21 = vector.broadcast %jit3A_20 : f32 to vector<512x1xf32>
    %select_n3A_22 = arith.select %ne3A_18, %broadcast_in_dim3A, %broadcast_in_dim3A_21 : vector<512x1xi1>, vector<512x1xf32>
    %get3A_23 = arith.constant 0 : index
    %get3A_24 = arith.constant 0 : index
    %get3A_25 = vector.load %arg5[%get3A_23, %get3A_24] : memref<512x512xbf16, #tpu.memory_space<vmem>>, vector<512x512xbf16>
    %convert_element_type3A = arith.truncf %select_n3A_22 : vector<512x1xf32> to vector<512x1xbf16>
    %dot_general3A = arith.constant dense<0.000000e+00> : vector<512x1xf32>
    %dot_general3A_26 = tpu.matmul %get3A_25, %convert_element_type3A, %dot_general3A {dimension_numbers = #tpu.dot_dimension_numbers<[1], [0], [0], [1], [0, 0, 1, 1], [], []>, transpose_lhs_hint = false} : vector<512x512xbf16>, vector<512x1xbf16>, vector<512x1xf32> -> vector<512x1xf32>
    %add3A_27 = vector.broadcast %select_n3A_12 : f32 to vector<512x1xf32>
    %add3A_28 = arith.addf %dot_general3A_26, %add3A_27 : vector<512x1xf32>
    %mul3A = arith.mulf %add3A_28, %select_n3A_22 : vector<512x1xf32>
    %add3A_29 = arith.constant 1.000000e+00 : f32
    %add3A_30 = vector.broadcast %add3A_29 : f32 to vector<512x1xf32>
    %add3A_31 = arith.addf %mul3A, %add3A_30 : vector<512x1xf32>
    %iota3A = tpu.iota {dimensions = array<i32: 1>} : vector<256x384xi32>
    %convert_element_type3A_32 = arith.sitofp %iota3A : vector<256x384xi32> to vector<256x384xf32>
    %convert_element_type3A_33 = arith.fptosi %select_n3A_12 : f32 to i32
    %add3A_34 = arith.constant 2 : i32
    %add3A_35 = arith.addi %convert_element_type3A_33, %add3A_34 : i32
    %jit3A_36 = arith.constant 8 : i32
    %div3A = arith.divsi %add3A_35, %jit3A_36 : i32
    %sign3A = arith.constant 0 : i32
    %sign3A_37 = arith.cmpi sgt, %add3A_35, %sign3A : i32
    %sign3A_38 = arith.extui %sign3A_37 : i1 to i32
    %sign3A_39 = arith.constant 0 : i32
    %sign3A_40 = arith.cmpi slt, %add3A_35, %sign3A_39 : i32
    %sign3A_41 = arith.extui %sign3A_40 : i1 to i32
    %sign3A_42 = arith.subi %sign3A_38, %sign3A_41 : i32
    %sign3A_43 = arith.constant 0 : i32
    %sign3A_44 = arith.cmpi sgt, %jit3A_36, %sign3A_43 : i32
    %sign3A_45 = arith.extui %sign3A_44 : i1 to i32
    %sign3A_46 = arith.constant 0 : i32
    %sign3A_47 = arith.cmpi slt, %jit3A_36, %sign3A_46 : i32
    %sign3A_48 = arith.extui %sign3A_47 : i1 to i32
    %sign3A_49 = arith.subi %sign3A_45, %sign3A_48 : i32
    %ne3A_50 = arith.cmpi ne, %sign3A_42, %sign3A_49 : i32
    %rem3A_51 = arith.remsi %add3A_35, %jit3A_36 : i32
    %ne3A_52 = arith.constant 0 : i32
    %ne3A_53 = arith.cmpi ne, %rem3A_51, %ne3A_52 : i32
    %and3A_54 = arith.andi %ne3A_50, %ne3A_53 : i1
    %sub3A = arith.constant 1 : i32
    %sub3A_55 = arith.subi %div3A, %sub3A : i32
    %select_n3A_56 = arith.select %and3A_54, %sub3A_55, %div3A : i32
    %mul3A_57 = arith.constant 8 : i32
    %mul3A_58 = arith.muli %select_n3A_56, %mul3A_57 : i32
    %slice3A = vector.extract_strided_slice %add3A_31 {offsets = [0, 0], sizes = [256, 1], strides = [1, 1]} : vector<512x1xf32> to vector<256x1xf32>
    %slice3A_59 = vector.extract_strided_slice %select_n3A_22 {offsets = [0, 0], sizes = [256, 1], strides = [1, 1]} : vector<512x1xf32> to vector<256x1xf32>
    %convert_element_type3A_60 = arith.sitofp %mul3A_58 : i32 to f32
    %sub3A_61 = vector.broadcast %convert_element_type3A_60 : f32 to vector<256x1xf32>
    %sub3A_62 = arith.subf %slice3A, %sub3A_61 : vector<256x1xf32>
    %eq3A_63 = vector.broadcast %sub3A_62 : vector<256x1xf32> to vector<256x384xf32>
    %eq3A_64 = arith.cmpf oeq, %eq3A_63, %convert_element_type3A_32 : vector<256x384xf32>
    %gt3A = arith.constant 0.000000e+00 : f32
    %gt3A_65 = vector.broadcast %gt3A : f32 to vector<256x1xf32>
    %gt3A_66 = arith.cmpf ogt, %slice3A_59, %gt3A_65 : vector<256x1xf32>
    %and3A_67 = vector.broadcast %gt3A_66 : vector<256x1xi1> to vector<256x384xi1>
    %and3A_68 = arith.andi %eq3A_64, %and3A_67 : vector<256x384xi1>
    %jit3A_69 = arith.constant 1.000000e+00 : f32
    %jit3A_70 = arith.constant 0.000000e+00 : f32
    %broadcast_in_dim3A_71 = vector.broadcast %jit3A_69 : f32 to vector<256x384xf32>
    %broadcast_in_dim3A_72 = vector.broadcast %jit3A_70 : f32 to vector<256x384xf32>
    %select_n3A_73 = arith.select %and3A_68, %broadcast_in_dim3A_71, %broadcast_in_dim3A_72 : vector<256x384xi1>, vector<256x384xf32>
    %convert_element_type3A_74 = arith.truncf %select_n3A_73 : vector<256x384xf32> to vector<256x384xbf16>
    %get3A_75 = arith.index_cast %mul3A_58 : i32 to index
    %get3A_76 = arith.constant 0 : index
    %get3A_77 = vector.load %arg3[%get3A_75, %get3A_76] : memref<2176x768xf32, #tpu.memory_space<vmem>>, vector<384x768xf32>
    %convert_element_type3A_78 = arith.truncf %get3A_77 : vector<384x768xf32> to vector<384x768xbf16>
    %dot_general3A_79 = arith.constant dense<0.000000e+00> : vector<256x768xf32>
    %dot_general3A_80 = tpu.matmul %convert_element_type3A_74, %convert_element_type3A_78, %dot_general3A_79 {dimension_numbers = #tpu.dot_dimension_numbers<[1], [0], [0], [1], [0, 0, 1, 1], [], []>, transpose_lhs_hint = false} : vector<256x384xbf16>, vector<384x768xbf16>, vector<256x768xf32> -> vector<256x768xf32>
    %slice3A_81 = vector.extract_strided_slice %select_n3A_22 {offsets = [0, 0], sizes = [256, 1], strides = [1, 1]} : vector<512x1xf32> to vector<256x1xf32>
    %reduce_sum3A = vector.shape_cast %slice3A_81 : vector<256x1xf32> to vector<1x256x1xf32>
    %reduce_sum3A_82 = arith.constant dense<0.000000e+00> : vector<1xf32>
    %reduce_sum3A_83 = vector.multi_reduction <add>, %reduce_sum3A, %reduce_sum3A_82 [1, 2] : vector<1x256x1xf32> to vector<1xf32>
    %reduce_sum3A_84 = vector.shape_cast %reduce_sum3A_83 : vector<1xf32> to vector<1x1x1xf32>
    %reduce_sum3A_85 = vector.extract %reduce_sum3A_84[0, 0, 0] : f32 from vector<1x1x1xf32>
    %add3A_86 = arith.addf %select_n3A_12, %reduce_sum3A_85 : f32
    %convert_element_type3A_87 = arith.fptosi %add3A_86 : f32 to i32
    %add3A_88 = arith.constant 2 : i32
    %add3A_89 = arith.addi %convert_element_type3A_87, %add3A_88 : i32
    %jit3A_90 = arith.constant 8 : i32
    %div3A_91 = arith.divsi %add3A_89, %jit3A_90 : i32
    %sign3A_92 = arith.constant 0 : i32
    %sign3A_93 = arith.cmpi sgt, %add3A_89, %sign3A_92 : i32
    %sign3A_94 = arith.extui %sign3A_93 : i1 to i32
    %sign3A_95 = arith.constant 0 : i32
    %sign3A_96 = arith.cmpi slt, %add3A_89, %sign3A_95 : i32
    %sign3A_97 = arith.extui %sign3A_96 : i1 to i32
    %sign3A_98 = arith.subi %sign3A_94, %sign3A_97 : i32
    %sign3A_99 = arith.constant 0 : i32
    %sign3A_100 = arith.cmpi sgt, %jit3A_90, %sign3A_99 : i32
    %sign3A_101 = arith.extui %sign3A_100 : i1 to i32
    %sign3A_102 = arith.constant 0 : i32
    %sign3A_103 = arith.cmpi slt, %jit3A_90, %sign3A_102 : i32
    %sign3A_104 = arith.extui %sign3A_103 : i1 to i32
    %sign3A_105 = arith.subi %sign3A_101, %sign3A_104 : i32
    %ne3A_106 = arith.cmpi ne, %sign3A_98, %sign3A_105 : i32
    %rem3A_107 = arith.remsi %add3A_89, %jit3A_90 : i32
    %ne3A_108 = arith.constant 0 : i32
    %ne3A_109 = arith.cmpi ne, %rem3A_107, %ne3A_108 : i32
    %and3A_110 = arith.andi %ne3A_106, %ne3A_109 : i1
    %sub3A_111 = arith.constant 1 : i32
    %sub3A_112 = arith.subi %div3A_91, %sub3A_111 : i32
    %select_n3A_113 = arith.select %and3A_110, %sub3A_112, %div3A_91 : i32
    %mul3A_114 = arith.constant 8 : i32
    %mul3A_115 = arith.muli %select_n3A_113, %mul3A_114 : i32
    %slice3A_116 = vector.extract_strided_slice %add3A_31 {offsets = [256, 0], sizes = [256, 1], strides = [1, 1]} : vector<512x1xf32> to vector<256x1xf32>
    %slice3A_117 = vector.extract_strided_slice %select_n3A_22 {offsets = [256, 0], sizes = [256, 1], strides = [1, 1]} : vector<512x1xf32> to vector<256x1xf32>
    %convert_element_type3A_118 = arith.sitofp %mul3A_115 : i32 to f32
    %sub3A_119 = vector.broadcast %convert_element_type3A_118 : f32 to vector<256x1xf32>
    %sub3A_120 = arith.subf %slice3A_116, %sub3A_119 : vector<256x1xf32>
    %eq3A_121 = vector.broadcast %sub3A_120 : vector<256x1xf32> to vector<256x384xf32>
    %eq3A_122 = arith.cmpf oeq, %eq3A_121, %convert_element_type3A_32 : vector<256x384xf32>
    %gt3A_123 = arith.constant 0.000000e+00 : f32
    %gt3A_124 = vector.broadcast %gt3A_123 : f32 to vector<256x1xf32>
    %gt3A_125 = arith.cmpf ogt, %slice3A_117, %gt3A_124 : vector<256x1xf32>
    %and3A_126 = vector.broadcast %gt3A_125 : vector<256x1xi1> to vector<256x384xi1>
    %and3A_127 = arith.andi %eq3A_122, %and3A_126 : vector<256x384xi1>
    %jit3A_128 = arith.constant 1.000000e+00 : f32
    %jit3A_129 = arith.constant 0.000000e+00 : f32
    %broadcast_in_dim3A_130 = vector.broadcast %jit3A_128 : f32 to vector<256x384xf32>
    %broadcast_in_dim3A_131 = vector.broadcast %jit3A_129 : f32 to vector<256x384xf32>
    %select_n3A_132 = arith.select %and3A_127, %broadcast_in_dim3A_130, %broadcast_in_dim3A_131 : vector<256x384xi1>, vector<256x384xf32>
    %convert_element_type3A_133 = arith.truncf %select_n3A_132 : vector<256x384xf32> to vector<256x384xbf16>
    %get3A_134 = arith.index_cast %mul3A_115 : i32 to index
    %get3A_135 = arith.constant 0 : index
    %get3A_136 = vector.load %arg3[%get3A_134, %get3A_135] : memref<2176x768xf32, #tpu.memory_space<vmem>>, vector<384x768xf32>
    %convert_element_type3A_137 = arith.truncf %get3A_136 : vector<384x768xf32> to vector<384x768xbf16>
    %dot_general3A_138 = arith.constant dense<0.000000e+00> : vector<256x768xf32>
    %dot_general3A_139 = tpu.matmul %convert_element_type3A_133, %convert_element_type3A_137, %dot_general3A_138 {dimension_numbers = #tpu.dot_dimension_numbers<[1], [0], [0], [1], [0, 0, 1, 1], [], []>, transpose_lhs_hint = false} : vector<256x384xbf16>, vector<384x768xbf16>, vector<256x768xf32> -> vector<256x768xf32>
    %concatenate3A = tpu.concatenate %dot_general3A_80, %dot_general3A_139 in 0 : vector<256x768xf32>, vector<256x768xf32> -> vector<512x768xf32>
    %sub3A_140 = arith.constant 1.000000e+00 : f32
    %sub3A_141 = vector.broadcast %sub3A_140 : f32 to vector<512x1xf32>
    %sub3A_142 = arith.subf %sub3A_141, %select_n3A_22 : vector<512x1xf32>
    %get3A_143 = arith.constant 0 : index
    %get3A_144 = arith.constant 0 : index
    %get3A_145 = vector.load %arg7[%get3A_143, %get3A_144] : memref<1x768xf32, #tpu.memory_space<vmem>>, vector<1x768xf32>
    %mul3A_146 = vector.broadcast %sub3A_142 : vector<512x1xf32> to vector<512x768xf32>
    %mul3A_147 = vector.broadcast %get3A_145 : vector<1x768xf32> to vector<512x768xf32>
    %mul3A_148 = arith.mulf %mul3A_146, %mul3A_147 : vector<512x768xf32>
    %add3A_149 = arith.addf %concatenate3A, %mul3A_148 : vector<512x768xf32>
    %get3A_150 = arith.constant 0 : index
    %get3A_151 = arith.constant 0 : index
    %get3A_152 = vector.load %arg1[%get3A_150, %get3A_151] : memref<512x128xf32, #tpu.memory_space<vmem>>, vector<512x128xf32>
    %convert_element_type3A_153 = arith.truncf %get3A_152 : vector<512x128xf32> to vector<512x128xbf16>
    %get3A_154 = arith.constant 0 : index
    %get3A_155 = arith.constant 0 : index
    %get3A_156 = vector.load %arg2[%get3A_154, %get3A_155] : memref<128x768xbf16, #tpu.memory_space<vmem>>, vector<128x768xbf16>
    %dot_general3A_157 = arith.constant dense<0.000000e+00> : vector<512x768xf32>
    %dot_general3A_158 = tpu.matmul %convert_element_type3A_153, %get3A_156, %dot_general3A_157 {dimension_numbers = #tpu.dot_dimension_numbers<[1], [0], [0], [1], [0, 0, 1, 1], [], []>, transpose_lhs_hint = false} : vector<512x128xbf16>, vector<128x768xbf16>, vector<512x768xf32> -> vector<512x768xf32>
    %get3A_159 = arith.constant 0 : index
    %get3A_160 = arith.constant 0 : index
    %get3A_161 = vector.load %arg6[%get3A_159, %get3A_160] : memref<1x768xf32, #tpu.memory_space<vmem>>, vector<1x768xf32>
    %add3A_162 = vector.broadcast %get3A_161 : vector<1x768xf32> to vector<512x768xf32>
    %add3A_163 = arith.addf %dot_general3A_158, %add3A_162 : vector<512x768xf32>
    %add3A_164 = arith.addf %add3A_163, %add3A_149 : vector<512x768xf32>
    %reduce_sum3A_165 = arith.constant dense<0.000000e+00> : vector<512xf32>
    %reduce_sum3A_166 = vector.multi_reduction <add>, %add3A_164, %reduce_sum3A_165 [1] : vector<512x768xf32> to vector<512xf32>
    %broadcast_in_dim3A_167 = vector.shape_cast %reduce_sum3A_166 : vector<512xf32> to vector<512x1xf32>
    %div3A_168 = arith.constant 7.680000e+02 : f32
    %div3A_169 = vector.broadcast %div3A_168 : f32 to vector<512x1xf32>
    %div3A_170 = arith.divf %broadcast_in_dim3A_167, %div3A_169 : vector<512x1xf32>
    %sub3A_171 = vector.broadcast %div3A_170 : vector<512x1xf32> to vector<512x768xf32>
    %sub3A_172 = arith.subf %add3A_164, %sub3A_171 : vector<512x768xf32>
    %mul3A_173 = arith.mulf %sub3A_172, %sub3A_172 : vector<512x768xf32>
    %reduce_sum3A_174 = arith.constant dense<0.000000e+00> : vector<512xf32>
    %reduce_sum3A_175 = vector.multi_reduction <add>, %mul3A_173, %reduce_sum3A_174 [1] : vector<512x768xf32> to vector<512xf32>
    %broadcast_in_dim3A_176 = vector.shape_cast %reduce_sum3A_175 : vector<512xf32> to vector<512x1xf32>
    %div3A_177 = arith.constant 7.680000e+02 : f32
    %div3A_178 = vector.broadcast %div3A_177 : f32 to vector<512x1xf32>
    %div3A_179 = arith.divf %broadcast_in_dim3A_176, %div3A_178 : vector<512x1xf32>
    %add3A_180 = arith.constant 9.99999996E-13 : f32
    %add3A_181 = vector.broadcast %add3A_180 : f32 to vector<512x1xf32>
    %add3A_182 = arith.addf %div3A_179, %add3A_181 : vector<512x1xf32>
    %rsqrt3A = math.rsqrt %add3A_182 : vector<512x1xf32>
    %mul3A_183 = vector.broadcast %rsqrt3A : vector<512x1xf32> to vector<512x768xf32>
    %mul3A_184 = arith.mulf %sub3A_172, %mul3A_183 : vector<512x768xf32>
    %get3A_185 = arith.constant 0 : index
    %get3A_186 = arith.constant 0 : index
    %get3A_187 = vector.load %arg8[%get3A_185, %get3A_186] : memref<1x768xf32, #tpu.memory_space<vmem>>, vector<1x768xf32>
    %mul3A_188 = vector.broadcast %get3A_187 : vector<1x768xf32> to vector<512x768xf32>
    %mul3A_189 = arith.mulf %mul3A_184, %mul3A_188 : vector<512x768xf32>
    %get3A_190 = arith.constant 0 : index
    %get3A_191 = arith.constant 0 : index
    %get3A_192 = vector.load %arg9[%get3A_190, %get3A_191] : memref<1x768xf32, #tpu.memory_space<vmem>>, vector<1x768xf32>
    %add3A_193 = vector.broadcast %get3A_192 : vector<1x768xf32> to vector<512x768xf32>
    %add3A_194 = arith.addf %mul3A_189, %add3A_193 : vector<512x768xf32>
    %swap3A = arith.constant 0 : index
    %swap3A_195 = arith.constant 0 : index
    %swap3A_196 = vector.load %arg10[%swap3A, %swap3A_195] : memref<512x768xf32, #tpu.memory_space<vmem>>, vector<512x768xf32>
    tpu.vector_store %arg10[%swap3A, %swap3A_195], %add3A_194 {strides = array<i32>} : memref<512x768xf32, #tpu.memory_space<vmem>>, vector<512x768xf32>,
    %reduce_sum3A_197 = vector.shape_cast %select_n3A_22 : vector<512x1xf32> to vector<1x512x1xf32>
    %reduce_sum3A_198 = arith.constant dense<0.000000e+00> : vector<1xf32>
    %reduce_sum3A_199 = vector.multi_reduction <add>, %reduce_sum3A_197, %reduce_sum3A_198 [1, 2] : vector<1x512x1xf32> to vector<1xf32>
    %reduce_sum3A_200 = vector.shape_cast %reduce_sum3A_199 : vector<1xf32> to vector<1x1x1xf32>
    %reduce_sum3A_201 = vector.extract %reduce_sum3A_200[0, 0, 0] : f32 from vector<1x1x1xf32>
    %add3A_202 = arith.addf %select_n3A_12, %reduce_sum3A_201 : f32
    %swap3A_203 = arith.constant 0 : index
    %swap3A_204 = memref.load %arg11[%swap3A_203] : memref<1xf32, #tpu.memory_space<smem>>
    memref.store %add3A_202, %arg11[%swap3A_203] : memref<1xf32, #tpu.memory_space<smem>>
    return
  }
  func.func @transform_0(%arg0: i32) -> (i32, i32) {
    %c0_i32 = arith.constant 0 : i32
    %c0_i32_0 = arith.constant 0 : i32
    return %arg0, %c0_i32 : i32, i32
  }
  func.func @transform_1(%arg0: i32) -> (i32, i32) {
    %c0_i32 = arith.constant 0 : i32
    %c0_i32_0 = arith.constant 0 : i32
    %c0_i32_1 = arith.constant 0 : i32
    return %c0_i32, %c0_i32_0 : i32, i32
  }
  func.func @transform_2(%arg0: i32) -> (i32, i32) {
    %c0_i32 = arith.constant 0 : i32
    %c0_i32_0 = arith.constant 0 : i32
    %c0_i32_1 = arith.constant 0 : i32
    return %c0_i32, %c0_i32_0 : i32, i32
  }
  func.func @transform_3(%arg0: i32) -> (i32, i32) {
    %c0_i32 = arith.constant 0 : i32
    %c0_i32_0 = arith.constant 0 : i32
    return %arg0, %c0_i32 : i32, i32
  }
  func.func @transform_4(%arg0: i32) -> (i32, i32) {
    %c0_i32 = arith.constant 0 : i32
    %c0_i32_0 = arith.constant 0 : i32
    %c0_i32_1 = arith.constant 0 : i32
    return %c0_i32, %c0_i32_0 : i32, i32
  }
  func.func @transform_5(%arg0: i32) -> (i32, i32) {
    %c0_i32 = arith.constant 0 : i32
    %c0_i32_0 = arith.constant 0 : i32
    %c0_i32_1 = arith.constant 0 : i32
    return %c0_i32, %c0_i32_0 : i32, i32
  }
  func.func @transform_6(%arg0: i32) -> (i32, i32) {
    %c0_i32 = arith.constant 0 : i32
    %c0_i32_0 = arith.constant 0 : i32
    %c0_i32_1 = arith.constant 0 : i32
    return %c0_i32, %c0_i32_0 : i32, i32
  }
  func.func @transform_7(%arg0: i32) -> (i32, i32) {
    %c0_i32 = arith.constant 0 : i32
    %c0_i32_0 = arith.constant 0 : i32
    %c0_i32_1 = arith.constant 0 : i32
    return %c0_i32, %c0_i32_0 : i32, i32
  }
  func.func @transform_8(%arg0: i32) -> (i32, i32) {
    %c0_i32 = arith.constant 0 : i32
    %c0_i32_0 = arith.constant 0 : i32
    %c0_i32_1 = arith.constant 0 : i32
    return %c0_i32, %c0_i32_0 : i32, i32
  }
  func.func @transform_9(%arg0: i32) -> (i32, i32) {
    %c0_i32 = arith.constant 0 : i32
    %c0_i32_0 = arith.constant 0 : i32
    return %arg0, %c0_i32 : i32, i32
  }
}

</mosaic_0001>

<sc_bundles>
// kernel: kernel.4.cloned.1.call-start
scs
__scs_entry_jumppad:
0x0: {  	(pc) =	sbr.rel $0x88, $3  }
0x1: {  	(tag) =	ssettag $0x0;
	lr =	simm.s32 $0x1  }
0x2: {  	[smem:$0x3F9A] =	sst lr;
	_ =	strace $0xD0000000  }
0x3: {  	_ = 	snop  }
0x4: {  	_ = 	snop  }
0x5: {  	_ = 	snop  }
0x6: {  	_ = 	snop  }
0x7: {  	_ = 	snop  }
__scs_overlays_trampoline_lowered:
0x8: {  	[smem:$0x3FA9] =	sst s0  }
0x9: {  	[smem:$0x3FAA] =	sst s1  }
0xa: {  	[smem:$0x3FAB] =	sst s2  }
0xb: {  	[smem:$0x3FAC] =	sst s3  }
0xc: {  	[smem:$0x3FAD] =	sst s4  }
0xd: {  	[smem:$0x3FAE] =	sst s5  }
0xe: {  	[smem:$0x3FAF] =	sst s6  }
0xf: {  	[smem:$0x3FB0] =	sst s7  }
0x10: {  	[smem:$0x3FB1] =	sst s8  }
0x11: {  	[smem:$0x3FB2] =	sst s9;
	s0 =	simm.s32 @!p0 $0x0  }
0x12: {  	s1 =	sld [smem:$0x3F98];
	s0 =	simm.s32 @p0 $0x1  }
0x13: {  	[smem:$0x3FB3] =	sst s0;
	s0 =	simm.s32 @!p1 $0x0  }
0x14: {  	s2 =	sld [smem:$0x3F97];
	s0 =	simm.s32 @p1 $0x1  }
0x15: {  	[smem:$0x3FB4] =	sst s0;
	s0 =	simm.s32 @!p2 $0x0  }
0x16: {  	s3 =	sld [smem:$0x3FDB];
	s0 =	simm.s32 @p2 $0x1  }
0x17: {  	s4 =	simm.s32 $0x1BF5;
	[smem:$0x3FB6] =	sst s0  }
0x18: {  	s0 =	sld [smem:$0x3F99];
	_ =	swait.ge [sflag:s4], $0x0  }
0x19: {  	s7 =	sld [smem:$0x3F9A]  }
0x1a: {  	s8 =	sadd.s32 $0xFFFFE003, lr  }
0x1b: {  	s9 =	sadd.s32 $0xFFFFFEF7, lr;
	s5 =	simm.s32 $0xFFFFFFFF;
	p2 =	slt.u32 s8, $0xFFFFF086  }
0x1c: {  	p1 =	slt.u32 s9, $0xF7A;
	s5 =	simm.s32 @!p2 $0x0  }
0x1d: {  	s5 =	simm.s32 @p1 $0x1;
	p0 =	seq.s32 s7, s2  }
0x1e: {  	s7 =	smul.u32 @!p0 $0xF7A, s2;
	p2 =	seq.s32 @!p0 s5, $0x0  }
0x1f: {  	s9 =	smul.u32 $0xF7A, s1;
	s8 =	simm.s32 @!p0 $0x1BF5;
	p2 =	por !p2, p0  }
0x20: {  	[sflag:s8] =	ssyncset.s32 @!p0 $0xFFFFF086;
	s6 =	sadd.s32 @!p0 s3, s7;
	s7 =	simm.s32 @!p0 $0x108  }
0x21: {  	s3 =	sadd.s32 s3, s9;
	s6 =	sadd.s32 @!p0 $0x88, s6;
	s7 =	simm.s32 @p2 $0x1082  }
0x22: {  	[simem:s7], [sflag:s8] =	dma.local @!p0 [hbm:s6], $0xF7A  }
0x23: {  	s9 =	sor.u32 $0xD0000000, s2;
	s6 =	simm.s32 $0x108;
	_ =	swait.ge @!p0 [sflag:s8], $0x0  }
0x24: {  	s3 =	sadd.s32 $0x88, s3;
	s6 =	simm.s32 @!p1 $0x1082;
	[sflag:s4] =	ssyncset.s32 $0xFFFFF086  }
0x25: {  	[simem:s6], [sflag:s4] =	dma.local [hbm:s3], $0xF7A  }
0x26: {  	[smem:$0x3F9A] =	sst s1;
	(tag) =	ssettag s2;
	_ =	strace s9  }
0x27: {  	s1 =	sld [smem:$0x3FAA]  }
0x28: {  	s2 =	sld [smem:$0x3FAB]  }
0x29: {  	s4 =	sld [smem:$0x3FAD]  }
0x2a: {  	p0 =	seq.s32 s5, $0x0;
	s5 =	sld [smem:$0x3FAE]  }
0x2b: {  	s6 =	sld [smem:$0x3FAF]  }
0x2c: {  	s7 =	sld [smem:$0x3FB0]  }
0x2d: {  	s3 =	simm.s32 $0x108;
	s8 =	sld [smem:$0x3FB1]  }
0x2e: {  	s3 =	simm.s32 @!p0 $0x1082;
	s9 =	sld [smem:$0x3FB2]  }
0x2f: {  	lr =	sadd.s32 s0, s3;
	s0 =	sld [smem:$0x3FA9]  }
0x30: {  	s3 =	sld [smem:$0x3FAC]  }
0x31: {  	[smem:$0x3FB5] =	sst s10  }
0x32: {  	s10 =	sld [smem:$0x3FB3];
	_ =	sdelay $0x3  }
0x33: {  	p0 =	seq.s32 s10, $0x1;
	s10 =	sld [smem:$0x3FB5];
	_ =	sdelay $0x3  }
0x34: {  	[smem:$0x3FB5] =	sst s10  }
0x35: {  	s10 =	sld [smem:$0x3FB4];
	_ =	sdelay $0x3  }
0x36: {  	p1 =	seq.s32 s10, $0x1;
	s10 =	sld [smem:$0x3FB5];
	_ =	sdelay $0x3  }
0x37: {  	[smem:$0x3FB5] =	sst s10  }
0x38: {  	s10 =	sld [smem:$0x3FB6]  }
0x39: {  	_ = 	snop;
	(pc) =	sbr.ind lr, $3  }
0x3a: {  	_ = 	snop  }
0x3b: {  	_ = 	snop  }
0x3c: {  	p2 =	seq.s32 s10, $0x1;
	s10 =	sld [smem:$0x3FB5]  }
0x3d: {  	_ =	shalt  }
0x3e: {  	_ =	shalt  }
0x3f: {  	_ =	shalt  }
0x40: {  	_ =	shalt  }
0x41: {  	_ =	shalt  }
0x42: {  	_ =	shalt  }
0x43: {  	_ =	shalt  }
0x44: {  	_ =	shalt  }
0x45: {  	_ =	shalt  }
0x46: {  	_ =	shalt  }
0x47: {  	_ =	shalt  }
0x48: {  	_ =	shalt  }
0x49: {  	_ =	shalt  }
0x4a: {  	_ =	shalt  }
0x4b: {  	_ =	shalt  }
0x4c: {  	_ =	shalt  }
0x4d: {  	_ =	shalt  }
0x4e: {  	_ =	shalt  }
0x4f: {  	_ =	shalt  }
0x50: {  	_ =	shalt  }
0x51: {  	_ =	shalt  }
0x52: {  	_ =	shalt  }
0x53: {  	_ =	shalt  }
0x54: {  	_ =	shalt  }
0x55: {  	_ =	shalt  }
0x56: {  	_ =	shalt  }
0x57: {  	_ =	shalt  }
0x58: {  	_ =	shalt  }
0x59: {  	_ =	shalt  }
0x5a: {  	_ =	shalt  }
0x5b: {  	_ =	shalt  }
0x5c: {  	_ =	shalt  }
0x5d: {  	_ =	shalt  }
0x5e: {  	_ =	shalt  }
0x5f: {  	_ =	shalt  }
0x60: {  	_ =	shalt  }
0x61: {  	_ =	shalt  }
0x62: {  	_ =	shalt  }
0x63: {  	_ =	shalt  }
0x64: {  	_ =	shalt  }
0x65: {  	_ =	shalt  }
0x66: {  	_ =	shalt  }
0x67: {  	_ =	shalt  }
0x68: {  	_ =	shalt  }
0x69: {  	_ =	shalt  }
0x6a: {  	_ =	shalt  }
0x6b: {  	_ =	shalt  }
0x6c: {  	_ =	shalt  }
0x6d: {  	_ =	shalt  }
0x6e: {  	_ =	shalt  }
0x6f: {  	_ =	shalt  }
0x70: {  	_ =	shalt  }
0x71: {  	_ =	shalt  }
0x72: {  	_ =	shalt  }
0x73: {  	_ =	shalt  }
0x74: {  	_ =	shalt  }
0x75: {  	_ =	shalt  }
0x76: {  	_ =	shalt  }
0x77: {  	_ =	shalt  }
0x78: {  	_ =	shalt  }
0x79: {  	_ =	shalt  }
0x7a: {  	_ =	shalt  }
0x7b: {  	_ =	shalt  }
0x7c: {  	_ =	shalt  }
0x7d: {  	_ =	shalt  }
0x7e: {  	_ =	shalt  }
0x7f: {  	_ =	shalt  }
0x80: {  	_ =	shalt  }
0x81: {  	_ =	shalt  }
0x82: {  	_ =	shalt  }
0x83: {  	_ =	shalt  }
0x84: {  	_ =	shalt  }
0x85: {  	_ =	shalt  }
0x86: {  	_ =	shalt  }
0x87: {  	_ =	shalt  }
.Lfunc_end0:
.L_simem_size_0:
called_computation_lowered:
.L_overlay_start_0:
0x88: {  	s2 =	sld [smem:$0x3FD9]  }
0x89: {  	s3 =	sld [smem:$0x3FFE];
	_ =	sdelay $0x1  }
0x8a: {  	s1 =	srdreg.scid  }
0x8b: {  	s0 =	sand.u32 $0x1, s1  }
0x8c: {  	s17 =	sshll.u32 s0, $0xA;
	s2 =	sadd.s32 s3, s2  }
0x8d: {  	s2 =	sadd.s32 s2, s17  }
0x8e: {  	[smem:$0x3FC1] =	sst s2  }
0x8f: {  	_ = 	snop  }
0x90: {  	s2 =	sld [smem:$0x3FC8]  }
0x91: {  	s18 =	sld [smem:$0x3FD0];
	(tm) =	ssettm $0x1  }
0x92: {  	s4 =	sld [smem:$0x3FFB];
	_ =	sdelay $0x3  }
0x93: {  	_ =	strace s4  }
0x94: {  	s4 =	sld [smem:$0x3FFC];
	_ =	sdelay $0x3  }
0x95: {  	_ =	strace s4  }
0x96: {  	s4 =	sld [smem:$0x3FFD];
	_ =	sdelay $0x3  }
0x97: {  	_ =	strace s4  }
0x98: {  	_ =	strace $0x8FFFFFFF  }
0x99: {  	s19 =	sld [smem:$0x3FDB];
	_ =	sdelay $0x1  }
0x9a: {  	s5 =	simm.s32 $_scs_section_size  }
0x9b: {  	s6 =	simm.s32 $_size__tile_overlayer_lowered;
	s7 =	simm.s32 $_tile_overlayer_lowered  }
0x9c: {  	s22 =	simm.s32 $0x1BFF;
	s21 =	sshll.u32 s7, $0x1;
	s4 =	sadd.s32 s5, s19  }
0x9d: {  	s8 =	simm.s32 $0x0;
	s20 =	sshll.u32 s6, $0x1;
	s6 =	sadd.s32 s21, s4  }
0x9e: {  	[timem:s8], [sflag:s22] =	dma.local [hbm:s6], s20  }
0x9f: {  	_ =	swait.ge [sflag:s22], s20  }
0xa0: {  	s5 =	ssub.s32 $0x0, s20;
	[sflag:s22] =	ssyncset.done $0x0  }
0xa1: {  	[sflag:s22] =	ssyncadd.s32 s5;
	_ =	sdelay $0x1  }
0xa2: {  	s23 =	simm.s32 $0x1B8B  }
0xa3: {  	_ =	swait.ge [sflag:s23], $0x1  }
0xa4: {  	[sflag:s23] =	ssyncset.done $0x0  }
0xa5: {  	s25 =	simm.s32 $0x1B8E;
	s24 =	sld [smem:$0x3FFE];
	[sflag:s23] =	ssyncadd.s32 $0xFFFFFFFF  }
0xa6: {  	s26 =	simm.s32 $execute0_lowered;
	[smem:$0x3FD2] =	sst s25  }
0xa7: {  	s6 =	sshll.u32 s26, $0x1;
	_ =	strace $0x80000046;
	[dreg:$0x1] =	wrdreg $0xFFFFFFFF  }
0xa8: {  	s28 =	simm.s32 $_size_execute0_lowered;
	s4 =	sadd.s32 s4, s6;
	[dreg:$0x0] =	wrdreg $0x0  }
0xa9: {  	s6 =	sshll.u32 s28, $0x1;
	[dreg:$0x2] =	wrdreg s4  }
0xaa: {  	[dreg:$0x3] =	wrdreg s6  }
0xab: {  	[dreg:$0x4] =	wrdreg $0xC0  }
0xac: {  	_ =	task [dreg:s8], $0x5FFFF  }
0xad: {  	[dreg:$0x1] =	wrdreg $0xFFFFFFFF  }
0xae: {  	[dreg:$0x0] =	wrdreg $0x60  }
0xaf: {  	[dreg:$0x2] =	wrdreg s24  }
0xb0: {  	[dreg:$0x3] =	wrdreg s2  }
0xb1: {  	[dreg:$0x4] =	wrdreg s18  }
0xb2: {  	[dreg:$0x5] =	wrdreg $0x9  }
0xb3: {  	_ =	task.clear_ibuf [dreg:s8], $0x6FFFF;
	_ =	strace $0x90000046  }
0xb4: {  	s29 =	simm.s32 $0x9;
	_ =	strace $0x80000048  }
0xb5: {  	_ =	swait.ge [sflag:s29], $0x1  }
0xb6: {  	[sflag:s29] =	ssyncadd.s32 $0xFFFFFFFF  }
0xb7: {  	_ =	strace $0x90000048  }
0xb8: {  	_ =	sfence  }
0xb9: {  	s30 =	sld [smem:$0x0];
	_ =	sdelay $0x2  }
0xba: {  	s31 =	sshll.u32 s1, $0xD;
	s1 =	sshrl.u32 s1, $0x2  }
0xbb: {  	s3 =	sand.u32 $0x4000, s31;
	s1 =	sadd.s32 s1, s30  }
0xbc: {  	s0 =	sor.u32 s3, s0;
	s1 =	sshll.u32 s1, $0x11  }
0xbd: {  	s0 =	sor.u32 s1, s0  }
0xbe: {  	s0 =	sadd.s32 $0x8F2B, s0  }
0xbf: {  	[sflag:s0] =	ssyncadd.remote.s32 $0x1  }
0xc0: {  	_ =	sfence.sel $0xFFFF  }
0xc1: {  	[dreg:$0x0] =	wrdreg $0xFFFFFFFF;
	(pc) =	sbr.abs _section_cstart, $3  }
0xc2: {  	[dreg:$0x1] =	wrdreg $0xFFFFFFFF  }
0xc3: {  	_ =	task.clear_ibuf [dreg:s8], $0x2FFFF;
	_ =	strace $0x9FFFFFFF  }
0xc4: {  	(tm) =	ssettm $0x7FFFFFFF  }
0xc5: {  	_ =	shalt  }
tec
execute0_lowered:
.L_overlay_start_1:
0x0: {  	(tag) =	ssettag $0x1  }
0x1: {  	s4 =	rddreg [dreg:$0x0];
	s1 =	srdreg.scid  }
0x2: {  	s2 =	rddreg [dreg:$0x1];
	s0 =	stileid.u32;
	s11 =	sand.u32 $0x1, s1  }
0x3: {  	s12 =	rddreg [dreg:$0x2];
	s5 =	sshll.u32 s0, $0x9;
	s6 =	sshll.u32 s11, $0x8  }
0x4: {  	s3 =	simm.s32 $0x0;
	s1 =	rddreg [dreg:$0x3];
	s10 =	sor.u32 s6, s5  }
0x5: {  	[smem:$0x7FF] =	sst s3;
	s13 =	sadd.s32 $0x1C00, s4;
	s28 =	sshrl.u32 s10, $0x3  }
0x6: {  	s4 =	simm.s32 $0x2;
	_ =	strace $0x80000047;
	s5 =	sadd.s32 s13, s28  }
0x7: {  	[tilespmem:s3], [sflag:$0x2] =	stream.linear.gather [hbm4b:s5+s3], $0x80, $0x38;
	[tilespmem:$0x4100] =	vst v63  }
0x8: {  	_ =	swait.ge [sflag:s4], $0x80  }
0x9: {  	s7 =	simm.s32 $0x100;
	[sflag:s4] =	ssyncset.done $0x0  }
0xa: {  	s8 =	simm.s32 $0x1;
	s6 =	simm.s32 $0x80;
	[sflag:s4] =	ssyncadd.s32 $0xFFFFFF80  }
0xb: {  	[tilespmem:s7], [sflag:$0x1] =	stream.indirect.gather [hbm4b:s2+s6], $0x80, s3, s6, $0xb8;
	[tilespmem:$0x4100] =	vst v63  }
0xc: {  	_ =	swait.ge [sflag:s8], $0x4000  }
0xd: {  	s9 =	sshll.u32 s10, $0x4;
	[sflag:s8] =	ssyncset.done $0x0  }
0xe: {  	s9 =	sadd.s32 s12, s9;
	[sflag:s8] =	ssyncadd.s32 $0xFFFFC000  }
0xf: {  	[hbm4b:s9+s3] =	stream.linear.scatter [tilespmem:s7], [sflag:$0x2], $0x4000, $0x38;
	[tilespmem:$0x4100] =	vst v63  }
0x10: {  	s14 =	sor.u32 $0x80, s10;
	_ =	swait.ge [sflag:s4], $0x4000  }
0x11: {  	s10 =	sshrl.u32 s14, $0x3;
	[sflag:s4] =	ssyncset.done $0x0  }
0x12: {  	s11 =	ssub.s32 $0x2, s11;
	s10 =	sadd.s32 s13, s10;
	[sflag:s4] =	ssyncadd.s32 $0xFFFFC000  }
0x13: {  	[tilespmem:s6], [sflag:$0x2] =	stream.linear.gather [hbm4b:s10+s3], $0x80, $0x38;
	[tilespmem:$0x4100] =	vst v63  }
0x14: {  	s29 =	sshrl.u32 s11, $0x1;
	_ =	swait.ge [sflag:s4], $0x80  }
0x15: {  	s13 =	ssub.s32 s11, s29;
	[sflag:s4] =	ssyncset.done $0x0  }
0x16: {  	s31 =	smax.u32 s13, $0x1;
	[sflag:s4] =	ssyncadd.s32 $0xFFFFFF80  }
0x17: {  	[tilespmem:s7], [sflag:$0x1] =	stream.indirect.gather [hbm4b:s2+s6], $0x80, s6, s6, $0xb8;
	[tilespmem:$0x4100] =	vst v63  }
0x18: {  	p0 =	sne.s32 s31, $0x1;
	_ =	swait.ge [sflag:s8], $0x4000  }
.Ltmp0:
0x19: {  	s30 =	sshll.u32 s14, $0x4;
	[sflag:s8] =	ssyncset.done $0x0;
	(pc) =	sbr.rel @!p0 .LBB2_2-.Ltmp0, $4  }
0x1a: {  	s11 =	sadd.s32 s12, s30;
	[sflag:s8] =	ssyncadd.s32 $0xFFFFC000  }
0x1b: {  	[hbm4b:s11+s3] =	stream.linear.scatter [tilespmem:s7], [sflag:$0x2], $0x4000, $0x38;
	[tilespmem:$0x4100] =	vst v63  }
0x1c: {  	_ =	swait.ge [sflag:s4], $0x4000  }
0x1d: {  	s12 =	sadd.s32 $0xFFFFFFFF, s31;
	[sflag:s4] =	ssyncset.done $0x0  }
.LBB2_1:
0x1e: {  	p0 =	sne.s32 s12, $0x1;
	s12 =	sadd.s32 $0xFFFFFFFF, s12;
	[sflag:s4] =	ssyncadd.s32 $0xFFFFC000  }
0x1f: {  	[tilespmem:s3], [sflag:$0x2] =	stream.linear.gather [hbm4b:s5+s3], $0x80, $0x38;
	[tilespmem:$0x4100] =	vst v63  }
0x20: {  	_ =	swait.ge [sflag:s4], $0x80  }
0x21: {  	[sflag:s4] =	ssyncset.done $0x0  }
0x22: {  	[sflag:s4] =	ssyncadd.s32 $0xFFFFFF80  }
0x23: {  	[tilespmem:s7], [sflag:$0x1] =	stream.indirect.gather [hbm4b:s2+s6], $0x80, s3, s6, $0xb8;
	[tilespmem:$0x4100] =	vst v63  }
0x24: {  	_ =	swait.ge [sflag:s8], $0x4000  }
0x25: {  	[sflag:s8] =	ssyncset.done $0x0  }
0x26: {  	[sflag:s8] =	ssyncadd.s32 $0xFFFFC000  }
0x27: {  	[hbm4b:s9+s3] =	stream.linear.scatter [tilespmem:s7], [sflag:$0x2], $0x4000, $0x38;
	[tilespmem:$0x4100] =	vst v63  }
0x28: {  	_ =	swait.ge [sflag:s4], $0x4000  }
0x29: {  	[sflag:s4] =	ssyncset.done $0x0  }
0x2a: {  	[sflag:s4] =	ssyncadd.s32 $0xFFFFC000  }
0x2b: {  	[tilespmem:s6], [sflag:$0x2] =	stream.linear.gather [hbm4b:s10+s3], $0x80, $0x38;
	[tilespmem:$0x4100] =	vst v63  }
0x2c: {  	_ =	swait.ge [sflag:s4], $0x80  }
0x2d: {  	[sflag:s4] =	ssyncset.done $0x0  }
0x2e: {  	[sflag:s4] =	ssyncadd.s32 $0xFFFFFF80  }
0x2f: {  	[tilespmem:s7], [sflag:$0x1] =	stream.indirect.gather [hbm4b:s2+s6], $0x80, s6, s6, $0xb8;
	[tilespmem:$0x4100] =	vst v63  }
0x30: {  	_ =	swait.ge [sflag:s8], $0x4000  }
.Ltmp1:
0x31: {  	[sflag:s8] =	ssyncset.done $0x0;
	(pc) =	sbr.rel @p0 .LBB2_1-.Ltmp1, $4  }
0x32: {  	[sflag:s8] =	ssyncadd.s32 $0xFFFFC000  }
0x33: {  	[hbm4b:s11+s3] =	stream.linear.scatter [tilespmem:s7], [sflag:$0x2], $0x4000, $0x38;
	[tilespmem:$0x4100] =	vst v63  }
0x34: {  	_ =	swait.ge [sflag:s4], $0x4000  }
0x35: {  	[sflag:s4] =	ssyncset.done $0x0  }
.LBB2_2:
0x36: {  	[sflag:s4] =	ssyncadd.s32 $0xFFFFC000  }
0x37: {  	_ =	sfence.sel $0x180000  }
0x38: {  	[bflag:$0x0] =	sbarrier.arrive $0xFFFF  }
0x39: {  	p0 =	sne.s32 s0, $0x0;
	_ =	strace $0x90000047  }
0x3a: {  	s0 =	sadd.s32 @!p0 $0x100000, s1;
	[bflag:$0x2] =	sbarrier.arrive $0xFFFF  }
0x3b: {  	[sflag:s0] =	ssyncadd.tile.s32 @!p0 $0x1;
	_ =	shalt  }
.Lfunc_end2:
_tile_overlayer_lowered:
.L_overlay_start_2:
0x3c: {  	(tag) =	ssettag $0x2  }
0x3d: {  	s0 =	rddreg [dreg:$0x0];
	s2 =	stileid.u32  }
0x3e: {  	s1 =	rddreg [dreg:$0x1];
	p0 =	sne.s32 s2, $0x0  }
0x3f: {  	s3 =	rddreg [dreg:$0x2];
	[bflag:$0x3] =	sbarrier.arrive $0xFFFF;
	s2 =	simm.s32 @!p0 $0x1C02  }
0x40: {  	[timem:s3], [sflag:s2] =	dma.local @!p0 [hbm:s0], s1  }
0x41: {  	s0 =	simm.s32 @!p0 $0x2  }
0x42: {  	_ =	swait.ge @!p0 [sflag:s0], s1  }
0x43: {  	s1 =	ssub.s32 @!p0 $0x0, s1;
	[sflag:s0] =	ssyncset.done @!p0 $0x0  }
0x44: {  	[sflag:s0] =	ssyncadd.s32 @!p0 s1  }
0x45: {  	[bflag:$0x3] =	sbarrier.arrive $0xFFFF  }
0x46: {  	_ =	shalt  }

</sc_bundles>
